<compile_context>
chip_gen: v7x
topology: tpu7x:2x2x1
jax: 0.10.2.dev20260603
libtpu: 0.0.44.dev20260713+nightly
codegen_flags: <defaults>
</compile_context>

<pallas_src>
import jax
import jax.numpy as jnp
from jax import lax
from jax.experimental import pallas as pl
from jax.experimental.pallas import tpu as pltpu
from jax.experimental.pallas import tpu_sc as plsc

TEMP = 0.07
N = 2048
C = 64
CP = 128
K = 4096
LOG2_HW = 14
LOG2_CHW = 20
NUM_WORKERS = 32
S_PER_W = N // NUM_WORKERS
LANES = 16


def _sc_gather_body(emb0_hbm, emb1_hbm, perm_hbm, out_hbm,
                    perm_v, idx_v, rows_v, sem0, sem1):
    wid = lax.axis_index("s") * 2 + lax.axis_index("c")
    s_base = wid * S_PER_W
    pltpu.sync_copy(perm_hbm.at[pl.ds(s_base, S_PER_W)], perm_v)

    lane = lax.iota(jnp.int32, 16)

    def group(g, carry):
        p = perm_v[pl.ds(g * LANES, LANES)]
        b = lax.shift_right_logical(p, LOG2_HW)
        hw = lax.bitwise_and(p, (1 << LOG2_HW) - 1)
        base = lax.shift_left(b, LOG2_CHW) + hw
        pos0 = (g * LANES + lane) * C

        def build(c, carry2):
            plsc.store_scatter(idx_v, [pos0 + c],
                               base + lax.shift_left(c, LOG2_HW))
            return carry2

        lax.fori_loop(0, C, build, 0)

        def fire(s, carry2):
            pltpu.make_async_copy(
                emb0_hbm.at[idx_v.at[pl.ds(s * C, C)]],
                rows_v.at[pl.ds(s * CP, C)], sem0).start()
            pltpu.make_async_copy(
                emb1_hbm.at[idx_v.at[pl.ds(s * C, C)]],
                rows_v.at[pl.ds(s * CP + C, C)], sem1).start()
            return carry2

        lax.fori_loop(g * LANES, (g + 1) * LANES, fire, 0)
        return carry

    lax.fori_loop(0, S_PER_W // LANES, group, 0)

    pltpu.make_async_copy(
        emb0_hbm.at[pl.ds(0, S_PER_W * C)],
        rows_v.at[pl.ds(0, S_PER_W * C)], sem0).wait()
    pltpu.make_async_copy(
        emb1_hbm.at[pl.ds(0, S_PER_W * C)],
        rows_v.at[pl.ds(0, S_PER_W * C)], sem1).wait()

    pltpu.sync_copy(rows_v, out_hbm.at[pl.ds(s_base * CP, S_PER_W * CP)])


def _sc_gather(emb0_flat, emb1_flat, perm):
    fn = pl.kernel(
        _sc_gather_body,
        mesh=plsc.VectorSubcoreMesh(core_axis_name="c", subcore_axis_name="s"),
        compiler_params=pltpu.CompilerParams(needs_layout_passes=False,
                                             use_tc_tiling_on_sc=False,
                                             skip_device_barrier=True),
        out_type=jax.ShapeDtypeStruct((N * CP,), jnp.float32),
        scratch_types=[
            pltpu.VMEM((S_PER_W,), jnp.int32),
            pltpu.VMEM((S_PER_W * C,), jnp.int32),
            pltpu.VMEM((S_PER_W * CP,), jnp.float32),
            pltpu.SemaphoreType.DMA,
            pltpu.SemaphoreType.DMA,
        ],
    )
    return fn(emb0_flat, emb1_flat, perm)


BLK = 2048


def _dense_body(x_ref, queue_ref, out_ref):
    i = pl.program_id(0)
    good = lax.broadcasted_iota(jnp.int32, (BLK, CP), 1) < C
    x = x_ref[...]
    xr = jnp.concatenate([x[:, C:], x[:, :C]], axis=1)
    q = jnp.where(good, x, 0.0)
    kk = jnp.where(good, xr, 0.0)
    qn = q / (jnp.sqrt(jnp.sum(q * q, axis=1, keepdims=True)) + 1e-6)
    kn = kk / (jnp.sqrt(jnp.sum(kk * kk, axis=1, keepdims=True)) + 1e-6)
    z = jnp.sum(qn * kn, axis=1, keepdims=True) * (1.0 / TEMP)
    qs = (qn * (1.0 / TEMP)).astype(jnp.bfloat16)
    lneg = lax.dot_general(qs, queue_ref[...], (((1,), (1,)), ((), ())),
                           preferred_element_type=jnp.float32)
    s = jnp.exp(z) + jnp.sum(jnp.exp(lneg), axis=1, keepdims=True)
    lse = jnp.log(s)
    partial = jnp.sum(lse - z) * (1.0 / N)

    @pl.when(i == 0)
    def _():
        out_ref[0, 0] = 0.0

    out_ref[0, 0] += partial


def _dense_loss(v, queue_pad):
    return pl.pallas_call(
        _dense_body,
        grid=(N // BLK,),
        in_specs=[
            pl.BlockSpec((BLK, CP), lambda i: (i, 0)),
            pl.BlockSpec((K, CP), lambda i: (0, 0)),
        ],
        out_specs=pl.BlockSpec(memory_space=pltpu.SMEM),
        out_shape=jax.ShapeDtypeStruct((1, 1), jnp.float32),
        compiler_params=pltpu.CompilerParams(skip_device_barrier=True),
    )(v, queue_pad)


def kernel(emb0, emb1, perm, queue):
    B, C_, H, W = emb0.shape
    e0 = emb0.reshape(B * C_ * H * W)
    e1 = emb1.reshape(B * C_ * H * W)
    v = _sc_gather(e0, e1, perm)
    queue_pad = jnp.pad(queue, ((0, 0), (0, CP - C))).astype(jnp.bfloat16)
    out = _dense_loss(v.reshape(N, CP), queue_pad)
    return out[0, 0]

# --- scband reference (transcript-rebuilt; emitter-appended) ---
"""Pipeline reference for scband-moc-net2-d-23845658427525 (READ-ONLY COPY).

The authoritative reference and input builder live on the scoring server;
editing this copy changes nothing except your own understanding.
"""

import jax, jax.numpy as jnp
import numpy as np

# hyperparameters that the original module pulls from the global `hyp` object
NUM_SAMPLES = 256          # hyp.moc2D_num_samples (per batch element)
MOC_COEFF   = 1.0          # hyp.moc2D_coeff
TEMP        = 0.07         # MoCo temperature (moc_trainer)
QUEUE_K     = 4096         # MoCo negative-queue size (moc_trainer)


def _l2norm(x):
    return x / (jnp.linalg.norm(x, axis=-1, keepdims=True) + 1e-6)


def setup_inputs(seed: int = 0) -> dict:
    key = jax.random.key(seed)
    k0, k1, k2, k3 = jax.random.split(key, 4)
    B, C, H, W = 8, 64, 128, 128
    emb0 = jax.random.normal(k0, (B, C, H, W), dtype=jnp.float32)
    emb1 = jax.random.normal(k1, (B, C, H, W), dtype=jnp.float32)
    # torch.randperm(B*H*W)[:num_samples*B] -> fixed here for determinism
    perm = jax.random.permutation(k2, B * H * W)[: NUM_SAMPLES * B].astype(jnp.int32)
    # MoCo negative queue (buffer inside moc_trainer), L2-normalized keys
    queue = jax.random.normal(k3, (QUEUE_K, C), dtype=jnp.float32)
    queue = queue / jnp.linalg.norm(queue, axis=1, keepdims=True)
    return {"emb0": emb0, "emb1": emb1, "perm": perm, "queue": queue}


def reference(emb0, emb1, perm, queue):
    B, C, H, W = emb0.shape
    # sample_embs: permute to channels-last, flatten, gather sampled rows
    e0 = jnp.transpose(emb0, (0, 2, 3, 1)).reshape(B * H * W, C)
    e1 = jnp.transpose(emb1, (0, 2, 3, 1)).reshape(B * H * W, C)
    emb0_vec = jnp.take(e0, perm, axis=0)
    emb1_vec = jnp.take(e1, perm, axis=0)
    # moc_trainer.forward(emb0_vec, emb1_vec.detach()) -> MoCo InfoNCE
    q = _l2norm(emb0_vec)
    k = _l2norm(jax.lax.stop_gradient(emb1_vec))
    l_pos = jnp.sum(q * k, axis=1, keepdims=True)          # [N, 1]
    l_neg = q @ queue.T                                     # [N, K]
    logits = jnp.concatenate([l_pos, l_neg], axis=1) / TEMP
    logp = jax.nn.log_softmax(logits, axis=1)
    moc_loss = -jnp.mean(logp[:, 0])                        # CE with label 0
    # utils_misc.add_loss: total_loss = 0 + coeff * moc_loss
    total_loss = MOC_COEFF * moc_loss
    return total_loss

if __name__ == "__main__":
    import jax
    _d = setup_inputs()
    print(jax.jit(kernel)(*tuple(_d.values())))

</pallas_src>

<mosaic_0001>
#map = affine_map<(d0, d1) -> (0)>
module attributes {stable_mosaic.version = 14 : i64} {
  func.func @_sc_gather_body(%arg0: i32, %arg1: i32, %arg2: memref<8388608xf32, #tpu.memory_space<hbm>>, %arg3: memref<8388608xf32, #tpu.memory_space<hbm>>, %arg4: memref<2048xi32, #tpu.memory_space<hbm>>, %arg5: memref<262144xf32, #tpu.memory_space<hbm>>, %arg6: memref<64xi32, #tpu.memory_space<vmem>>, %arg7: memref<4096xi32, #tpu.memory_space<vmem>>, %arg8: memref<8192xf32, #tpu.memory_space<vmem>>, %arg9: memref<!tpu.dma_semaphore, #tpu.memory_space<semaphore_mem>>, %arg10: memref<!tpu.dma_semaphore, #tpu.memory_space<semaphore_mem>>) attributes {dimension_semantics = [#tpu.dimension_semantics<core_parallel>, #tpu.dimension_semantics<subcore_parallel>], iteration_bounds = array<i64: 2, 16>, scalar_prefetch = 0 : i64, scratch_operands = 5 : i64, tpu.core_type = #tpu.core_type<sc_vector_subcore>, window_params = [{transform_indices = #map}, {transform_indices = #map}, {transform_indices = #map}, {transform_indices = #map}]} {
    %mul3A = arith.constant 2 : i32
    %mul3A_0 = arith.muli %arg1, %mul3A : i32
    %add3A = arith.addi %mul3A_0, %arg0 : i32
    %mul3A_1 = arith.constant 64 : i32
    %mul3A_2 = arith.muli %add3A, %mul3A_1 : i32
    "tpu.region"() ({
      %run_scoped3A = tpu.sem_alloc : memref<!tpu.dma_semaphore, #tpu.memory_space<semaphore_mem>>
      %dma_start3A = tpu.memref_slice %arg4[%mul3A_2] : memref<2048xi32, #tpu.memory_space<hbm>> -> memref<64xi32, #tpu.memory_space<hbm>>
      %dma_start3A_25 = tpu.memref_slice %arg4[%mul3A_2] : memref<2048xi32, #tpu.memory_space<hbm>> -> memref<64xi32, #tpu.memory_space<hbm>>
      tpu.enqueue_dma source(%dma_start3A_25 : memref<64xi32, #tpu.memory_space<hbm>>) target(%arg6 : memref<64xi32, #tpu.memory_space<vmem>>) target_semaphore(%run_scoped3A : memref<!tpu.dma_semaphore, #tpu.memory_space<semaphore_mem>>)
      %dma_wait3A_26 = tpu.memref_slice %arg4[%mul3A_2] : memref<2048xi32, #tpu.memory_space<hbm>> -> memref<64xi32, #tpu.memory_space<hbm>>
      %dma_wait3A_27 = tpu.memref_slice %arg4[%mul3A_2] : memref<2048xi32, #tpu.memory_space<hbm>> -> memref<64xi32, #tpu.memory_space<hbm>>
      tpu.wait_dma2 semaphore(%run_scoped3A : memref<!tpu.dma_semaphore, #tpu.memory_space<semaphore_mem>>) src(%dma_wait3A_27 : memref<64xi32, #tpu.memory_space<hbm>>) dst(%arg6 : memref<64xi32, #tpu.memory_space<vmem>>)
      tpu.yield
    }) : () -> ()
    %iota3A = tpu.iota {dimensions = array<i32: 0>} : vector<16xi32>
    %scan3A = arith.constant 0 : i32
    %scan3A_3 = arith.constant 0 : i32
    %scan3A_4 = arith.constant 4 : i32
    %scan3A_5 = arith.addi %scan3A_3, %scan3A_4 : i32
    %scan3A_6 = arith.constant 1 : i32
    scf.for %scan3A_25 = %scan3A_3 to %scan3A_5 step %scan3A_6  : i32 {
      %mul3A_26 = arith.constant 16 : i32
      %mul3A_27 = arith.muli %scan3A_25, %mul3A_26 : i32
      %get3A = arith.index_cast %mul3A_27 : i32 to index
      %get3A_28 = tpu.vector_load %arg6[%get3A] {strides = array<i32>} : memref<64xi32, #tpu.memory_space<vmem>>, vector<16xi32>,
      %shift_right_logical3A = arith.constant 14 : i32
      %shift_right_logical3A_29 = vector.broadcast %shift_right_logical3A : i32 to vector<16xi32>
      %shift_right_logical3A_30 = arith.shrui %get3A_28, %shift_right_logical3A_29 : vector<16xi32>
      %and3A = arith.constant 16383 : i32
      %and3A_31 = vector.broadcast %and3A : i32 to vector<16xi32>
      %and3A_32 = arith.andi %get3A_28, %and3A_31 : vector<16xi32>
      %shift_left3A = arith.constant 20 : i32
      %shift_left3A_33 = vector.broadcast %shift_left3A : i32 to vector<16xi32>
      %shift_left3A_34 = arith.shli %shift_right_logical3A_30, %shift_left3A_33 : vector<16xi32>
      %add3A_35 = arith.addi %shift_left3A_34, %and3A_32 : vector<16xi32>
      %mul3A_36 = arith.constant 16 : i32
      %mul3A_37 = arith.muli %scan3A_25, %mul3A_36 : i32
      %add3A_38 = vector.broadcast %mul3A_37 : i32 to vector<16xi32>
      %add3A_39 = arith.addi %add3A_38, %iota3A : vector<16xi32>
      %mul3A_40 = arith.constant 64 : i32
      %mul3A_41 = vector.broadcast %mul3A_40 : i32 to vector<16xi32>
      %mul3A_42 = arith.muli %add3A_39, %mul3A_41 : vector<16xi32>
      %scan3A_43 = arith.constant 0 : i32
      %scan3A_44 = arith.constant 0 : i32
      %scan3A_45 = arith.constant 64 : i32
      %scan3A_46 = arith.addi %scan3A_44, %scan3A_45 : i32
      %scan3A_47 = arith.constant 1 : i32
      scf.for %scan3A_63 = %scan3A_44 to %scan3A_46 step %scan3A_47  : i32 {
        %add3A_64 = vector.broadcast %scan3A_63 : i32 to vector<16xi32>
        %add3A_65 = arith.addi %mul3A_42, %add3A_64 : vector<16xi32>
        %shift_left3A_66 = arith.constant 14 : i32
        %shift_left3A_67 = arith.shli %scan3A_63, %shift_left3A_66 : i32
        %add3A_68 = vector.broadcast %shift_left3A_67 : i32 to vector<16xi32>
        %add3A_69 = arith.addi %add3A_35, %add3A_68 : vector<16xi32>
        tpu.vector_store_idx %arg7[%add3A_65], %add3A_69 : memref<4096xi32, #tpu.memory_space<vmem>>[vector<16xi32>], vector<16xi32>,
      }
      %scan3A_48 = arith.constant 64 : i32
      %mul3A_49 = arith.constant 16 : i32
      %mul3A_50 = arith.muli %scan3A_25, %mul3A_49 : i32
      %add3A_51 = arith.constant 1 : i32
      %add3A_52 = arith.addi %scan3A_25, %add3A_51 : i32
      %mul3A_53 = arith.constant 16 : i32
      %mul3A_54 = arith.muli %add3A_52, %mul3A_53 : i32
      %while3A = arith.constant 0 : i32
      %while3A_55 = arith.subi %mul3A_54, %mul3A_50 : i32
      %while3A_56 = arith.addi %mul3A_50, %while3A_55 : i32
      %while3A_57 = arith.constant 1 : i32
      %while3A_58 = arith.divsi %while3A_55, %while3A_57 : i32
      %while3A_59 = arith.muli %while3A_58, %while3A_57 : i32
      %while3A_60 = arith.addi %mul3A_50, %while3A_59 : i32
      %while3A_61 = arith.constant 1 : i32
      scf.for %while3A_63 = %mul3A_50 to %while3A_60 step %while3A_61  : i32 {
        %mul3A_64 = arith.constant 64 : i32
        %mul3A_65 = arith.muli %while3A_63, %mul3A_64 : i32
        %mul3A_66 = arith.constant 128 : i32
        %mul3A_67 = arith.muli %while3A_63, %mul3A_66 : i32
        %dma_start3A = tpu.memref_slice %arg8[%mul3A_67] : memref<8192xf32, #tpu.memory_space<vmem>> -> memref<64xf32, #tpu.memory_space<vmem>>
        %dma_start3A_68 = tpu.memref_slice %arg7[%mul3A_65] : memref<4096xi32, #tpu.memory_space<vmem>> -> memref<64xi32, #tpu.memory_space<vmem>>
        %dma_start3A_69 = arith.constant 0 : i32
        %dma_start3A_70 = tpu.memref_slice %arg2[%dma_start3A_69] : memref<8388608xf32, #tpu.memory_space<hbm>> -> memref<8388608xf32, #tpu.memory_space<hbm>>
        tpu.enqueue_indirect_dma source(%dma_start3A_70 : memref<8388608xf32, #tpu.memory_space<hbm>>) target(%dma_start3A : memref<64xf32, #tpu.memory_space<vmem>>) offsets(%dma_start3A_68 : memref<64xi32, #tpu.memory_space<vmem>>) semaphore(%arg9 : memref<!tpu.dma_semaphore, #tpu.memory_space<semaphore_mem>>)
        %mul3A_71 = arith.constant 64 : i32
        %mul3A_72 = arith.muli %while3A_63, %mul3A_71 : i32
        %mul3A_73 = arith.constant 128 : i32
        %mul3A_74 = arith.muli %while3A_63, %mul3A_73 : i32
        %add3A_75 = arith.constant 64 : i32
        %add3A_76 = arith.addi %mul3A_74, %add3A_75 : i32
        %dma_start3A_77 = tpu.memref_slice %arg8[%add3A_76] : memref<8192xf32, #tpu.memory_space<vmem>> -> memref<64xf32, #tpu.memory_space<vmem>>
        %dma_start3A_78 = tpu.memref_slice %arg7[%mul3A_72] : memref<4096xi32, #tpu.memory_space<vmem>> -> memref<64xi32, #tpu.memory_space<vmem>>
        %dma_start3A_79 = arith.constant 0 : i32
        %dma_start3A_80 = tpu.memref_slice %arg3[%dma_start3A_79] : memref<8388608xf32, #tpu.memory_space<hbm>> -> memref<8388608xf32, #tpu.memory_space<hbm>>
        tpu.enqueue_indirect_dma source(%dma_start3A_80 : memref<8388608xf32, #tpu.memory_space<hbm>>) target(%dma_start3A_77 : memref<64xf32, #tpu.memory_space<vmem>>) offsets(%dma_start3A_78 : memref<64xi32, #tpu.memory_space<vmem>>) semaphore(%arg10 : memref<!tpu.dma_semaphore, #tpu.memory_space<semaphore_mem>>)
      }
      %while3A_62 = arith.constant 1 : i32
      scf.for %while3A_63 = %while3A_60 to %while3A_56 step %while3A_62  : i32 {
        %mul3A_64 = arith.constant 64 : i32
        %mul3A_65 = arith.muli %while3A_63, %mul3A_64 : i32
        %mul3A_66 = arith.constant 128 : i32
        %mul3A_67 = arith.muli %while3A_63, %mul3A_66 : i32
        %dma_start3A = tpu.memref_slice %arg8[%mul3A_67] : memref<8192xf32, #tpu.memory_space<vmem>> -> memref<64xf32, #tpu.memory_space<vmem>>
        %dma_start3A_68 = tpu.memref_slice %arg7[%mul3A_65] : memref<4096xi32, #tpu.memory_space<vmem>> -> memref<64xi32, #tpu.memory_space<vmem>>
        %dma_start3A_69 = arith.constant 0 : i32
        %dma_start3A_70 = tpu.memref_slice %arg2[%dma_start3A_69] : memref<8388608xf32, #tpu.memory_space<hbm>> -> memref<8388608xf32, #tpu.memory_space<hbm>>
        tpu.enqueue_indirect_dma source(%dma_start3A_70 : memref<8388608xf32, #tpu.memory_space<hbm>>) target(%dma_start3A : memref<64xf32, #tpu.memory_space<vmem>>) offsets(%dma_start3A_68 : memref<64xi32, #tpu.memory_space<vmem>>) semaphore(%arg9 : memref<!tpu.dma_semaphore, #tpu.memory_space<semaphore_mem>>)
        %mul3A_71 = arith.constant 64 : i32
        %mul3A_72 = arith.muli %while3A_63, %mul3A_71 : i32
        %mul3A_73 = arith.constant 128 : i32
        %mul3A_74 = arith.muli %while3A_63, %mul3A_73 : i32
        %add3A_75 = arith.constant 64 : i32
        %add3A_76 = arith.addi %mul3A_74, %add3A_75 : i32
        %dma_start3A_77 = tpu.memref_slice %arg8[%add3A_76] : memref<8192xf32, #tpu.memory_space<vmem>> -> memref<64xf32, #tpu.memory_space<vmem>>
        %dma_start3A_78 = tpu.memref_slice %arg7[%mul3A_72] : memref<4096xi32, #tpu.memory_space<vmem>> -> memref<64xi32, #tpu.memory_space<vmem>>
        %dma_start3A_79 = arith.constant 0 : i32
        %dma_start3A_80 = tpu.memref_slice %arg3[%dma_start3A_79] : memref<8388608xf32, #tpu.memory_space<hbm>> -> memref<8388608xf32, #tpu.memory_space<hbm>>
        tpu.enqueue_indirect_dma source(%dma_start3A_80 : memref<8388608xf32, #tpu.memory_space<hbm>>) target(%dma_start3A_77 : memref<64xf32, #tpu.memory_space<vmem>>) offsets(%dma_start3A_78 : memref<64xi32, #tpu.memory_space<vmem>>) semaphore(%arg10 : memref<!tpu.dma_semaphore, #tpu.memory_space<semaphore_mem>>)
      }
    }
    %scan3A_7 = arith.constant 4 : i32
    %dma_wait3A = arith.constant 0 : i32
    %dma_wait3A_8 = tpu.memref_slice %arg8[%dma_wait3A] : memref<8192xf32, #tpu.memory_space<vmem>> -> memref<4096xf32, #tpu.memory_space<vmem>>
    %dma_wait3A_9 = arith.constant 0 : i32
    %dma_wait3A_10 = tpu.memref_slice %arg2[%dma_wait3A_9] : memref<8388608xf32, #tpu.memory_space<hbm>> -> memref<4096xf32, #tpu.memory_space<hbm>>
    %dma_wait3A_11 = arith.constant 0 : i32
    %dma_wait3A_12 = tpu.memref_slice %arg8[%dma_wait3A_11] : memref<8192xf32, #tpu.memory_space<vmem>> -> memref<4096xf32, #tpu.memory_space<vmem>>
    %dma_wait3A_13 = arith.constant 0 : i32
    %dma_wait3A_14 = tpu.memref_slice %arg2[%dma_wait3A_13] : memref<8388608xf32, #tpu.memory_space<hbm>> -> memref<4096xf32, #tpu.memory_space<hbm>>
    tpu.wait_dma2 semaphore(%arg9 : memref<!tpu.dma_semaphore, #tpu.memory_space<semaphore_mem>>) src(%dma_wait3A_14 : memref<4096xf32, #tpu.memory_space<hbm>>) dst(%dma_wait3A_12 : memref<4096xf32, #tpu.memory_space<vmem>>)
    %dma_wait3A_15 = arith.constant 0 : i32
    %dma_wait3A_16 = tpu.memref_slice %arg8[%dma_wait3A_15] : memref<8192xf32, #tpu.memory_space<vmem>> -> memref<4096xf32, #tpu.memory_space<vmem>>
    %dma_wait3A_17 = arith.constant 0 : i32
    %dma_wait3A_18 = tpu.memref_slice %arg3[%dma_wait3A_17] : memref<8388608xf32, #tpu.memory_space<hbm>> -> memref<4096xf32, #tpu.memory_space<hbm>>
    %dma_wait3A_19 = arith.constant 0 : i32
    %dma_wait3A_20 = tpu.memref_slice %arg8[%dma_wait3A_19] : memref<8192xf32, #tpu.memory_space<vmem>> -> memref<4096xf32, #tpu.memory_space<vmem>>
    %dma_wait3A_21 = arith.constant 0 : i32
    %dma_wait3A_22 = tpu.memref_slice %arg3[%dma_wait3A_21] : memref<8388608xf32, #tpu.memory_space<hbm>> -> memref<4096xf32, #tpu.memory_space<hbm>>
    tpu.wait_dma2 semaphore(%arg10 : memref<!tpu.dma_semaphore, #tpu.memory_space<semaphore_mem>>) src(%dma_wait3A_22 : memref<4096xf32, #tpu.memory_space<hbm>>) dst(%dma_wait3A_20 : memref<4096xf32, #tpu.memory_space<vmem>>)
    %mul3A_23 = arith.constant 128 : i32
    %mul3A_24 = arith.muli %mul3A_2, %mul3A_23 : i32
    "tpu.region"() ({
      %run_scoped3A = tpu.sem_alloc : memref<!tpu.dma_semaphore, #tpu.memory_space<semaphore_mem>>
      %dma_start3A = tpu.memref_slice %arg5[%mul3A_24] : memref<262144xf32, #tpu.memory_space<hbm>> -> memref<8192xf32, #tpu.memory_space<hbm>>
      %dma_start3A_25 = tpu.memref_slice %arg5[%mul3A_24] : memref<262144xf32, #tpu.memory_space<hbm>> -> memref<8192xf32, #tpu.memory_space<hbm>>
      tpu.enqueue_dma source(%arg8 : memref<8192xf32, #tpu.memory_space<vmem>>) target(%dma_start3A_25 : memref<8192xf32, #tpu.memory_space<hbm>>) target_semaphore(%run_scoped3A : memref<!tpu.dma_semaphore, #tpu.memory_space<semaphore_mem>>)
      %dma_wait3A_26 = tpu.memref_slice %arg5[%mul3A_24] : memref<262144xf32, #tpu.memory_space<hbm>> -> memref<8192xf32, #tpu.memory_space<hbm>>
      %dma_wait3A_27 = tpu.memref_slice %arg5[%mul3A_24] : memref<262144xf32, #tpu.memory_space<hbm>> -> memref<8192xf32, #tpu.memory_space<hbm>>
      tpu.wait_dma2 semaphore(%run_scoped3A : memref<!tpu.dma_semaphore, #tpu.memory_space<semaphore_mem>>) src(%arg8 : memref<8192xf32, #tpu.memory_space<vmem>>) dst(%dma_wait3A_27 : memref<8192xf32, #tpu.memory_space<hbm>>)
      tpu.yield
    }) : () -> ()
    return
  }
}

module attributes {stable_mosaic.version = 14 : i64} {
  func.func @_dense_body(%arg0: i32, %arg1: memref<2048x128xf32, #tpu.memory_space<vmem>>, %arg2: memref<4096x128xbf16, #tpu.memory_space<vmem>>, %arg3: memref<1x1xf32, #tpu.memory_space<smem>>) attributes {dimension_semantics = [#tpu.dimension_semantics<arbitrary>], iteration_bounds = array<i64: 1>, scalar_prefetch = 0 : i64, scratch_operands = 0 : i64, tpu.core_type = #tpu.core_type<tc>, window_params = [{transform_indices = @transform_0, window_bounds = array<i64: 2048, 128>}, {pipeline_mode = #tpu.pipeline_mode<synchronous>, transform_indices = @transform_1, window_bounds = array<i64: 4096, 128>}, {transform_indices = @transform_2, window_bounds = array<i64: 1, 1>}]} {
    %iota3A = tpu.iota {dimensions = array<i32: 1>} : vector<2048x128xi32>
    %lt3A = arith.constant 64 : i32
    %lt3A_0 = vector.broadcast %lt3A : i32 to vector<2048x128xi32>
    %lt3A_1 = arith.cmpi slt, %iota3A, %lt3A_0 : vector<2048x128xi32>
    %get3A = arith.constant 0 : index
    %get3A_2 = arith.constant 0 : index
    %get3A_3 = vector.load %arg1[%get3A, %get3A_2] : memref<2048x128xf32, #tpu.memory_space<vmem>>, vector<2048x128xf32>
    %slice3A = vector.extract_strided_slice %get3A_3 {offsets = [0, 64], sizes = [2048, 64], strides = [1, 1]} : vector<2048x128xf32> to vector<2048x64xf32>
    %slice3A_4 = vector.extract_strided_slice %get3A_3 {offsets = [0, 0], sizes = [2048, 64], strides = [1, 1]} : vector<2048x128xf32> to vector<2048x64xf32>
    %concatenate3A = tpu.concatenate %slice3A, %slice3A_4 in 1 : vector<2048x64xf32>, vector<2048x64xf32> -> vector<2048x128xf32>
    %jit3A = arith.constant 0.000000e+00 : f32
    %broadcast_in_dim3A = vector.broadcast %jit3A : f32 to vector<2048x128xf32>
    %select_n3A = arith.select %lt3A_1, %get3A_3, %broadcast_in_dim3A : vector<2048x128xi1>, vector<2048x128xf32>
    %jit3A_5 = arith.constant 0.000000e+00 : f32
    %broadcast_in_dim3A_6 = vector.broadcast %jit3A_5 : f32 to vector<2048x128xf32>
    %select_n3A_7 = arith.select %lt3A_1, %concatenate3A, %broadcast_in_dim3A_6 : vector<2048x128xi1>, vector<2048x128xf32>
    %mul3A = arith.mulf %select_n3A, %select_n3A : vector<2048x128xf32>
    %reduce_sum3A = arith.constant dense<0.000000e+00> : vector<2048xf32>
    %reduce_sum3A_8 = vector.multi_reduction <add>, %mul3A, %reduce_sum3A [1] : vector<2048x128xf32> to vector<2048xf32>
    %broadcast_in_dim3A_9 = vector.shape_cast %reduce_sum3A_8 : vector<2048xf32> to vector<2048x1xf32>
    %sqrt3A = math.sqrt %broadcast_in_dim3A_9 : vector<2048x1xf32>
    %add3A = arith.constant 9.99999997E-7 : f32
    %add3A_10 = vector.broadcast %add3A : f32 to vector<2048x1xf32>
    %add3A_11 = arith.addf %sqrt3A, %add3A_10 : vector<2048x1xf32>
    %div3A = vector.broadcast %add3A_11 : vector<2048x1xf32> to vector<2048x128xf32>
    %div3A_12 = arith.divf %select_n3A, %div3A : vector<2048x128xf32>
    %mul3A_13 = arith.mulf %select_n3A_7, %select_n3A_7 : vector<2048x128xf32>
    %reduce_sum3A_14 = arith.constant dense<0.000000e+00> : vector<2048xf32>
    %reduce_sum3A_15 = vector.multi_reduction <add>, %mul3A_13, %reduce_sum3A_14 [1] : vector<2048x128xf32> to vector<2048xf32>
    %broadcast_in_dim3A_16 = vector.shape_cast %reduce_sum3A_15 : vector<2048xf32> to vector<2048x1xf32>
    %sqrt3A_17 = math.sqrt %broadcast_in_dim3A_16 : vector<2048x1xf32>
    %add3A_18 = arith.constant 9.99999997E-7 : f32
    %add3A_19 = vector.broadcast %add3A_18 : f32 to vector<2048x1xf32>
    %add3A_20 = arith.addf %sqrt3A_17, %add3A_19 : vector<2048x1xf32>
    %div3A_21 = vector.broadcast %add3A_20 : vector<2048x1xf32> to vector<2048x128xf32>
    %div3A_22 = arith.divf %select_n3A_7, %div3A_21 : vector<2048x128xf32>
    %mul3A_23 = arith.mulf %div3A_12, %div3A_22 : vector<2048x128xf32>
    %reduce_sum3A_24 = arith.constant dense<0.000000e+00> : vector<2048xf32>
    %reduce_sum3A_25 = vector.multi_reduction <add>, %mul3A_23, %reduce_sum3A_24 [1] : vector<2048x128xf32> to vector<2048xf32>
    %broadcast_in_dim3A_26 = vector.shape_cast %reduce_sum3A_25 : vector<2048xf32> to vector<2048x1xf32>
    %mul3A_27 = arith.constant 14.2857141 : f32
    %mul3A_28 = vector.broadcast %mul3A_27 : f32 to vector<2048x1xf32>
    %mul3A_29 = arith.mulf %broadcast_in_dim3A_26, %mul3A_28 : vector<2048x1xf32>
    %mul3A_30 = arith.constant 14.2857141 : f32
    %mul3A_31 = vector.broadcast %mul3A_30 : f32 to vector<2048x128xf32>
    %mul3A_32 = arith.mulf %div3A_12, %mul3A_31 : vector<2048x128xf32>
    %convert_element_type3A = arith.truncf %mul3A_32 : vector<2048x128xf32> to vector<2048x128xbf16>
    %get3A_33 = arith.constant 0 : index
    %get3A_34 = arith.constant 0 : index
    %get3A_35 = vector.load %arg2[%get3A_33, %get3A_34] : memref<4096x128xbf16, #tpu.memory_space<vmem>>, vector<4096x128xbf16>
    %dot_general3A = arith.constant dense<0.000000e+00> : vector<2048x4096xf32>
    %dot_general3A_36 = tpu.matmul %convert_element_type3A, %get3A_35, %dot_general3A {dimension_numbers = #tpu.dot_dimension_numbers<[1], [1], [0], [0], [0, 0, 1, 0], [], []>, transpose_lhs_hint = false} : vector<2048x128xbf16>, vector<4096x128xbf16>, vector<2048x4096xf32> -> vector<2048x4096xf32>
    %exp3A = math.exp %mul3A_29 : vector<2048x1xf32>
    %exp3A_37 = math.exp %dot_general3A_36 : vector<2048x4096xf32>
    %reduce_sum3A_38 = arith.constant dense<0.000000e+00> : vector<2048xf32>
    %reduce_sum3A_39 = vector.multi_reduction <add>, %exp3A_37, %reduce_sum3A_38 [1] : vector<2048x4096xf32> to vector<2048xf32>
    %broadcast_in_dim3A_40 = vector.shape_cast %reduce_sum3A_39 : vector<2048xf32> to vector<2048x1xf32>
    %add3A_41 = arith.addf %exp3A, %broadcast_in_dim3A_40 : vector<2048x1xf32>
    %log3A = math.log %add3A_41 : vector<2048x1xf32>
    %sub3A = arith.subf %log3A, %mul3A_29 : vector<2048x1xf32>
    %reduce_sum3A_42 = vector.shape_cast %sub3A : vector<2048x1xf32> to vector<1x2048x1xf32>
    %reduce_sum3A_43 = arith.constant dense<0.000000e+00> : vector<1xf32>
    %reduce_sum3A_44 = vector.multi_reduction <add>, %reduce_sum3A_42, %reduce_sum3A_43 [1, 2] : vector<1x2048x1xf32> to vector<1xf32>
    %reduce_sum3A_45 = vector.shape_cast %reduce_sum3A_44 : vector<1xf32> to vector<1x1x1xf32>
    %reduce_sum3A_46 = vector.extract %reduce_sum3A_45[0, 0, 0] : f32 from vector<1x1x1xf32>
    %mul3A_47 = arith.constant 4.8828125E-4 : f32
    %mul3A_48 = arith.mulf %reduce_sum3A_46, %mul3A_47 : f32
    %eq3A = arith.constant 0 : i32
    %eq3A_49 = arith.cmpi eq, %arg0, %eq3A : i32
    %convert_element_type3A_50 = arith.extui %eq3A_49 : i1 to i32
    %cond3A = arith.constant 0 : i32
    %cond3A_51 = arith.cmpi ne, %convert_element_type3A_50, %cond3A : i32
    scf.if %cond3A_51 {
      %swap3A_58 = arith.constant 0.000000e+00 : f32
      %swap3A_59 = arith.constant 0 : index
      %swap3A_60 = arith.constant 0 : index
      %swap3A_61 = memref.load %arg3[%swap3A_59, %swap3A_60] : memref<1x1xf32, #tpu.memory_space<smem>>
      memref.store %swap3A_58, %arg3[%swap3A_59, %swap3A_60] : memref<1x1xf32, #tpu.memory_space<smem>>
    } else {
    }
    %get3A_52 = arith.constant 0 : index
    %get3A_53 = arith.constant 0 : index
    %get3A_54 = memref.load %arg3[%get3A_52, %get3A_53] : memref<1x1xf32, #tpu.memory_space<smem>>
    %add3A_55 = arith.addf %get3A_54, %mul3A_48 : f32
    %swap3A = arith.constant 0 : index
    %swap3A_56 = arith.constant 0 : index
    %swap3A_57 = memref.load %arg3[%swap3A, %swap3A_56] : memref<1x1xf32, #tpu.memory_space<smem>>
    memref.store %add3A_55, %arg3[%swap3A, %swap3A_56] : memref<1x1xf32, #tpu.memory_space<smem>>
    return
  }
  func.func @transform_0(%arg0: i32) -> (i32, i32) {
    %c0_i32 = arith.constant 0 : i32
    %c0_i32_0 = arith.constant 0 : i32
    return %arg0, %c0_i32 : i32, i32
  }
  func.func @transform_1(%arg0: i32) -> (i32, i32) {
    %c0_i32 = arith.constant 0 : i32
    %c0_i32_0 = arith.constant 0 : i32
    %c0_i32_1 = arith.constant 0 : i32
    return %c0_i32, %c0_i32_0 : i32, i32
  }
  func.func @transform_2(%arg0: i32) -> (i32, i32) {
    %c0_i32 = arith.constant 0 : i32
    %c0_i32_0 = arith.constant 0 : i32
    %c0_i32_1 = arith.constant 0 : i32
    return %c0_i32, %c0_i32_0 : i32, i32
  }
}

</mosaic_0001>

<sc_bundles>
// kernel: kernel.4.cloned.1.call-start
scs
__scs_entry_jumppad:
0x0: {  	(pc) =	sbr.rel $0x88, $3  }
0x1: {  	(tag) =	ssettag $0x0;
	lr =	simm.s32 $0x1  }
0x2: {  	[smem:$0x3F9D] =	sst lr;
	_ =	strace $0xD0000000  }
0x3: {  	_ = 	snop  }
0x4: {  	_ = 	snop  }
0x5: {  	_ = 	snop  }
0x6: {  	_ = 	snop  }
0x7: {  	_ = 	snop  }
__scs_overlays_trampoline_lowered:
0x8: {  	[smem:$0x3FAC] =	sst s0  }
0x9: {  	[smem:$0x3FAD] =	sst s1  }
0xa: {  	[smem:$0x3FAE] =	sst s2  }
0xb: {  	[smem:$0x3FAF] =	sst s3  }
0xc: {  	[smem:$0x3FB0] =	sst s4  }
0xd: {  	[smem:$0x3FB1] =	sst s5  }
0xe: {  	[smem:$0x3FB2] =	sst s6  }
0xf: {  	[smem:$0x3FB3] =	sst s7  }
0x10: {  	[smem:$0x3FB4] =	sst s8  }
0x11: {  	[smem:$0x3FB5] =	sst s9;
	s0 =	simm.s32 @!p0 $0x0  }
0x12: {  	s1 =	sld [smem:$0x3F9B];
	s0 =	simm.s32 @p0 $0x1  }
0x13: {  	[smem:$0x3FB6] =	sst s0;
	s0 =	simm.s32 @!p1 $0x0  }
0x14: {  	s2 =	sld [smem:$0x3F9A];
	s0 =	simm.s32 @p1 $0x1  }
0x15: {  	[smem:$0x3FB7] =	sst s0;
	s0 =	simm.s32 @!p2 $0x0  }
0x16: {  	s3 =	sld [smem:$0x3FDB];
	s0 =	simm.s32 @p2 $0x1  }
0x17: {  	s4 =	simm.s32 $0x1BF5;
	[smem:$0x3FB9] =	sst s0  }
0x18: {  	s0 =	sld [smem:$0x3F9C];
	_ =	swait.ge [sflag:s4], $0x0  }
0x19: {  	s7 =	sld [smem:$0x3F9D]  }
0x1a: {  	s8 =	sadd.s32 $0xFFFFE003, lr  }
0x1b: {  	s9 =	sadd.s32 $0xFFFFFEF7, lr;
	s5 =	simm.s32 $0xFFFFFFFF;
	p2 =	slt.u32 s8, $0xFFFFF086  }
0x1c: {  	p1 =	slt.u32 s9, $0xF7A;
	s5 =	simm.s32 @!p2 $0x0  }
0x1d: {  	s5 =	simm.s32 @p1 $0x1;
	p0 =	seq.s32 s7, s2  }
0x1e: {  	s7 =	smul.u32 @!p0 $0xF7A, s2;
	p2 =	seq.s32 @!p0 s5, $0x0  }
0x1f: {  	s9 =	smul.u32 $0xF7A, s1;
	s8 =	simm.s32 @!p0 $0x1BF5;
	p2 =	por !p2, p0  }
0x20: {  	[sflag:s8] =	ssyncset.s32 @!p0 $0xFFFFF086;
	s6 =	sadd.s32 @!p0 s3, s7;
	s7 =	simm.s32 @!p0 $0x108  }
0x21: {  	s3 =	sadd.s32 s3, s9;
	s6 =	sadd.s32 @!p0 $0x88, s6;
	s7 =	simm.s32 @p2 $0x1082  }
0x22: {  	[simem:s7], [sflag:s8] =	dma.local @!p0 [hbm:s6], $0xF7A  }
0x23: {  	s9 =	sor.u32 $0xD0000000, s2;
	s6 =	simm.s32 $0x108;
	_ =	swait.ge @!p0 [sflag:s8], $0x0  }
0x24: {  	s3 =	sadd.s32 $0x88, s3;
	s6 =	simm.s32 @!p1 $0x1082;
	[sflag:s4] =	ssyncset.s32 $0xFFFFF086  }
0x25: {  	[simem:s6], [sflag:s4] =	dma.local [hbm:s3], $0xF7A  }
0x26: {  	[smem:$0x3F9D] =	sst s1;
	(tag) =	ssettag s2;
	_ =	strace s9  }
0x27: {  	s1 =	sld [smem:$0x3FAD]  }
0x28: {  	s2 =	sld [smem:$0x3FAE]  }
0x29: {  	s4 =	sld [smem:$0x3FB0]  }
0x2a: {  	p0 =	seq.s32 s5, $0x0;
	s5 =	sld [smem:$0x3FB1]  }
0x2b: {  	s6 =	sld [smem:$0x3FB2]  }
0x2c: {  	s7 =	sld [smem:$0x3FB3]  }
0x2d: {  	s3 =	simm.s32 $0x108;
	s8 =	sld [smem:$0x3FB4]  }
0x2e: {  	s3 =	simm.s32 @!p0 $0x1082;
	s9 =	sld [smem:$0x3FB5]  }
0x2f: {  	lr =	sadd.s32 s0, s3;
	s0 =	sld [smem:$0x3FAC]  }
0x30: {  	s3 =	sld [smem:$0x3FAF]  }
0x31: {  	[smem:$0x3FB8] =	sst s10  }
0x32: {  	s10 =	sld [smem:$0x3FB6];
	_ =	sdelay $0x3  }
0x33: {  	p0 =	seq.s32 s10, $0x1;
	s10 =	sld [smem:$0x3FB8];
	_ =	sdelay $0x3  }
0x34: {  	[smem:$0x3FB8] =	sst s10  }
0x35: {  	s10 =	sld [smem:$0x3FB7];
	_ =	sdelay $0x3  }
0x36: {  	p1 =	seq.s32 s10, $0x1;
	s10 =	sld [smem:$0x3FB8];
	_ =	sdelay $0x3  }
0x37: {  	[smem:$0x3FB8] =	sst s10  }
0x38: {  	s10 =	sld [smem:$0x3FB9]  }
0x39: {  	_ = 	snop;
	(pc) =	sbr.ind lr, $3  }
0x3a: {  	_ = 	snop  }
0x3b: {  	_ = 	snop  }
0x3c: {  	p2 =	seq.s32 s10, $0x1;
	s10 =	sld [smem:$0x3FB8]  }
0x3d: {  	_ =	shalt  }
0x3e: {  	_ =	shalt  }
0x3f: {  	_ =	shalt  }
0x40: {  	_ =	shalt  }
0x41: {  	_ =	shalt  }
0x42: {  	_ =	shalt  }
0x43: {  	_ =	shalt  }
0x44: {  	_ =	shalt  }
0x45: {  	_ =	shalt  }
0x46: {  	_ =	shalt  }
0x47: {  	_ =	shalt  }
0x48: {  	_ =	shalt  }
0x49: {  	_ =	shalt  }
0x4a: {  	_ =	shalt  }
0x4b: {  	_ =	shalt  }
0x4c: {  	_ =	shalt  }
0x4d: {  	_ =	shalt  }
0x4e: {  	_ =	shalt  }
0x4f: {  	_ =	shalt  }
0x50: {  	_ =	shalt  }
0x51: {  	_ =	shalt  }
0x52: {  	_ =	shalt  }
0x53: {  	_ =	shalt  }
0x54: {  	_ =	shalt  }
0x55: {  	_ =	shalt  }
0x56: {  	_ =	shalt  }
0x57: {  	_ =	shalt  }
0x58: {  	_ =	shalt  }
0x59: {  	_ =	shalt  }
0x5a: {  	_ =	shalt  }
0x5b: {  	_ =	shalt  }
0x5c: {  	_ =	shalt  }
0x5d: {  	_ =	shalt  }
0x5e: {  	_ =	shalt  }
0x5f: {  	_ =	shalt  }
0x60: {  	_ =	shalt  }
0x61: {  	_ =	shalt  }
0x62: {  	_ =	shalt  }
0x63: {  	_ =	shalt  }
0x64: {  	_ =	shalt  }
0x65: {  	_ =	shalt  }
0x66: {  	_ =	shalt  }
0x67: {  	_ =	shalt  }
0x68: {  	_ =	shalt  }
0x69: {  	_ =	shalt  }
0x6a: {  	_ =	shalt  }
0x6b: {  	_ =	shalt  }
0x6c: {  	_ =	shalt  }
0x6d: {  	_ =	shalt  }
0x6e: {  	_ =	shalt  }
0x6f: {  	_ =	shalt  }
0x70: {  	_ =	shalt  }
0x71: {  	_ =	shalt  }
0x72: {  	_ =	shalt  }
0x73: {  	_ =	shalt  }
0x74: {  	_ =	shalt  }
0x75: {  	_ =	shalt  }
0x76: {  	_ =	shalt  }
0x77: {  	_ =	shalt  }
0x78: {  	_ =	shalt  }
0x79: {  	_ =	shalt  }
0x7a: {  	_ =	shalt  }
0x7b: {  	_ =	shalt  }
0x7c: {  	_ =	shalt  }
0x7d: {  	_ =	shalt  }
0x7e: {  	_ =	shalt  }
0x7f: {  	_ =	shalt  }
0x80: {  	_ =	shalt  }
0x81: {  	_ =	shalt  }
0x82: {  	_ =	shalt  }
0x83: {  	_ =	shalt  }
0x84: {  	_ =	shalt  }
0x85: {  	_ =	shalt  }
0x86: {  	_ =	shalt  }
0x87: {  	_ =	shalt  }
.Lfunc_end0:
.L_simem_size_0:
called_computation_lowered:
.L_overlay_start_0:
0x88: {  	s2 =	sld [smem:$0x3FD9]  }
0x89: {  	s3 =	sld [smem:$0x3FFE];
	_ =	sdelay $0x1  }
0x8a: {  	s1 =	srdreg.scid  }
0x8b: {  	s0 =	sand.u32 $0x1, s1  }
0x8c: {  	s17 =	sshll.u32 s0, $0xA;
	s2 =	sadd.s32 s3, s2  }
0x8d: {  	s2 =	sadd.s32 s2, s17  }
0x8e: {  	[smem:$0x3FC4] =	sst s2  }
0x8f: {  	_ = 	snop  }
0x90: {  	s2 =	sld [smem:$0x3FC9]  }
0x91: {  	s18 =	sld [smem:$0x3FC8]  }
0x92: {  	s4 =	sld [smem:$0x3FC7];
	(tm) =	ssettm $0x1  }
0x93: {  	s5 =	sld [smem:$0x3FFB];
	_ =	sdelay $0x3  }
0x94: {  	_ =	strace s5  }
0x95: {  	s5 =	sld [smem:$0x3FFC];
	_ =	sdelay $0x3  }
0x96: {  	_ =	strace s5  }
0x97: {  	s5 =	sld [smem:$0x3FFD];
	_ =	sdelay $0x3  }
0x98: {  	_ =	strace s5  }
0x99: {  	_ =	strace $0x8FFFFFFF  }
0x9a: {  	s19 =	sld [smem:$0x3FDB];
	_ =	sdelay $0x1  }
0x9b: {  	s6 =	simm.s32 $_scs_section_size  }
0x9c: {  	s7 =	simm.s32 $_size__tile_overlayer_lowered;
	s8 =	simm.s32 $_tile_overlayer_lowered  }
0x9d: {  	s22 =	simm.s32 $0x1BFF;
	s21 =	sshll.u32 s8, $0x1;
	s5 =	sadd.s32 s6, s19  }
0x9e: {  	s9 =	simm.s32 $0x0;
	s20 =	sshll.u32 s7, $0x1;
	s7 =	sadd.s32 s21, s5  }
0x9f: {  	[timem:s9], [sflag:s22] =	dma.local [hbm:s7], s20  }
0xa0: {  	_ =	swait.ge [sflag:s22], s20  }
0xa1: {  	s6 =	ssub.s32 $0x0, s20;
	[sflag:s22] =	ssyncset.done $0x0  }
0xa2: {  	[sflag:s22] =	ssyncadd.s32 s6;
	_ =	sdelay $0x1  }
0xa3: {  	s23 =	simm.s32 $0x1B8B  }
0xa4: {  	_ =	swait.ge [sflag:s23], $0x1  }
0xa5: {  	[sflag:s23] =	ssyncset.done $0x0  }
0xa6: {  	s25 =	simm.s32 $0x1B8E;
	s24 =	sld [smem:$0x3FFE];
	[sflag:s23] =	ssyncadd.s32 $0xFFFFFFFF  }
0xa7: {  	s26 =	simm.s32 $execute0_lowered;
	[smem:$0x3FD2] =	sst s25  }
0xa8: {  	s7 =	sshll.u32 s26, $0x1;
	_ =	strace $0x80000046;
	[dreg:$0x1] =	wrdreg $0xFFFFFFFF  }
0xa9: {  	s28 =	simm.s32 $_size_execute0_lowered;
	s5 =	sadd.s32 s5, s7;
	[dreg:$0x0] =	wrdreg $0x0  }
0xaa: {  	s7 =	sshll.u32 s28, $0x1;
	[dreg:$0x2] =	wrdreg s5  }
0xab: {  	[dreg:$0x3] =	wrdreg s7  }
0xac: {  	[dreg:$0x4] =	wrdreg $0xC0  }
0xad: {  	_ =	task [dreg:s9], $0x5FFFF  }
0xae: {  	[dreg:$0x1] =	wrdreg $0xFFFFFFFF  }
0xaf: {  	[dreg:$0x0] =	wrdreg $0x60  }
0xb0: {  	[dreg:$0x2] =	wrdreg s2  }
0xb1: {  	[dreg:$0x3] =	wrdreg s18  }
0xb2: {  	[dreg:$0x4] =	wrdreg s4  }
0xb3: {  	[dreg:$0x5] =	wrdreg s24  }
0xb4: {  	[dreg:$0x6] =	wrdreg $0x9  }
0xb5: {  	_ =	task.clear_ibuf [dreg:s9], $0x7FFFF;
	_ =	strace $0x90000046  }
0xb6: {  	s29 =	simm.s32 $0x9;
	_ =	strace $0x80000048  }
0xb7: {  	_ =	swait.ge [sflag:s29], $0x1  }
0xb8: {  	[sflag:s29] =	ssyncadd.s32 $0xFFFFFFFF  }
0xb9: {  	_ =	strace $0x90000048  }
0xba: {  	_ =	sfence  }
0xbb: {  	s30 =	sld [smem:$0x0];
	_ =	sdelay $0x2  }
0xbc: {  	s31 =	sshll.u32 s1, $0xD;
	s1 =	sshrl.u32 s1, $0x2  }
0xbd: {  	s3 =	sand.u32 $0x4000, s31;
	s1 =	sadd.s32 s1, s30  }
0xbe: {  	s0 =	sor.u32 s3, s0;
	s1 =	sshll.u32 s1, $0x11  }
0xbf: {  	s0 =	sor.u32 s1, s0  }
0xc0: {  	s0 =	sadd.s32 $0x8F2B, s0  }
0xc1: {  	[sflag:s0] =	ssyncadd.remote.s32 $0x1  }
0xc2: {  	_ =	sfence.sel $0xFFFF  }
0xc3: {  	[dreg:$0x0] =	wrdreg $0xFFFFFFFF;
	(pc) =	sbr.abs _section_cstart, $3  }
0xc4: {  	[dreg:$0x1] =	wrdreg $0xFFFFFFFF  }
0xc5: {  	_ =	task.clear_ibuf [dreg:s9], $0x2FFFF;
	_ =	strace $0x9FFFFFFF  }
0xc6: {  	(tm) =	ssettm $0x7FFFFFFF  }
0xc7: {  	_ =	shalt  }
tec
execute0_lowered:
.L_overlay_start_1:
0x0: {  	(tag) =	ssettag $0x1  }
0x1: {  	s1 =	rddreg [dreg:$0x0]  }
0x2: {  	s2 =	rddreg [dreg:$0x1]  }
0x3: {  	s5 =	rddreg [dreg:$0x2]  }
0x4: {  	s6 =	rddreg [dreg:$0x3]  }
0x5: {  	s0 =	rddreg [dreg:$0x4]  }
0x6: {  	s7 =	srdreg.scid;
	s3 =	stileid.u32  }
0x7: {  	s4 =	simm.s32 $0x0;
	s11 =	simm.s32 $0x2;
	s12 =	simm.s32 $0x1040  }
0x8: {  	s13 =	simm.s32 $0x0;
	s7 =	sand.u32 $0x1, s7;
	s8 =	sshll.u32 s3, $0x1  }
0x9: {  	[smem:$0x7FF] =	sst s4;
	s8 =	sor.u32 s7, s8;
	s7 =	ssub.s32 $0x2, s7  }
0xa: {  	_ =	strace $0x80000047;
	s9 =	sshll.u32 s8, $0xA;
	s10 =	sshrl.u32 s7, $0x1  }
0xb: {  	s8 =	sshll.u32 s8, $0x3;
	s6 =	sadd.s32 s9, s6;
	s7 =	ssub.s32 s7, s10  }
0xc: {  	v0 =	vlaneseq.u32;
	s5 =	sadd.s32 s5, s8;
	s8 =	simm.s32 $0x3;
	s9 =	simm.s32 $0x40  }
0xd: {  	v0 =	vmul.u32 $0x40, v0;
	s10 =	simm.s32 $0x1;
	s6 =	sadd.s32 $0x800, s6;
	s7 =	smax.u32 s7, $0x1  }
.LBB2_1:
0xe: {  	[tilespmem:s4], [sflag:$0x3] =	stream.linear.gather [hbm4b:s5+s4], $0x40, $0x38;
	[tilespmem:$0x3040] =	vst v63  }
0xf: {  	_ =	swait.ge [sflag:s8], $0x40  }
0x10: {  	[sflag:s8] =	ssyncset.done $0x0  }
0x11: {  	s14 =	simm.s32 $0x0;
	[sflag:s8] =	ssyncadd.s32 $0xFFFFFFC0  }
.LBB2_2:
0x12: {  	s15 =	sshll.u32 s14, $0x4  }
0x13: {  	v2 =	vld [tilespmem:s15+$0x0]  }
0x14: {  	v1 =	vmov s15  }
0x15: {  	v1 =	vshll.u32 v1, $0x6  }
0x16: {  	s16 =	simm.s32 $0x0;
	v1 =	vor.u32 v0, v1  }
0x17: {  	v3 =	vadd.s32 s16, v1  }
0x18: {  	v4 =	vshll.u32 v2, $0x6  }
0x19: {  	v2 =	vand.u32 $0x3FFF, v2;
	v4 =	vand.u32 $0xFFF00000, v4  }
0x1a: {  	v2 =	vor.u32 v2, v4  }
0x1b: {  	v4 =	vor.u32 s16, v2  }
0x1c: {  	s17 =	simm.s32 $0x1;
	[tilespmem:v3+s9+$0x0] =	vst.idx.msk $0xffff, v4  }
.LBB2_3:
0x1d: {  	v3 =	vadd.s32 s17, v1;
	p0 =	sne.s32 s17, $0x3F;
	s17 =	sadd.s32 $0x1, s17  }
.Ltmp0:
0x1e: {  	(pc) =	sbr.rel @p0 .LBB2_3-.Ltmp0, $4  }
0x1f: {  	_ = 	snop  }
0x20: {  	s16 =	sadd.s32 $0x4000, s16  }
0x21: {  	v4 =	vor.u32 s16, v2  }
0x22: {  	[tilespmem:v3+s9+$0x0] =	vst.idx.msk $0xffff, v4  }
0x23: {  	s16 =	sshll.u32 s14, $0xD;
	s17 =	sshll.u32 s14, $0xC  }
0x24: {  	s16 =	sshra.s32 s16, $0x2;
	s17 =	sshra.s32 s17, $0x2  }
0x25: {  	s18 =	sadd.s32 $0x1040, s16;
	s17 =	sor.u32 $0x40, s17  }
0x26: {  	[tilespmem:s18], [sflag:$0x1] =	stream.indirect.gather [hbm4b:s1+s9], $0x1, s17, s9, $0xb8;
	[tilespmem:$0x3040] =	vst v63  }
0x27: {  	s22 =	sor.u32 $0x1, s15;
	s16 =	sadd.s32 $0x1080, s16  }
0x28: {  	[tilespmem:s16], [sflag:$0x2] =	stream.indirect.gather [hbm4b:s2+s9], $0x1, s17, s9, $0xb8;
	[tilespmem:$0x3040] =	vst v63  }
0x29: {  	s23 =	sshll.u32 s22, $0x9;
	s16 =	sshll.u32 s22, $0x8  }
0x2a: {  	s17 =	sshra.s32 s23, $0x2;
	s16 =	sshra.s32 s16, $0x2  }
0x2b: {  	s24 =	sadd.s32 $0x1040, s17;
	s16 =	sadd.s32 $0x40, s16  }
0x2c: {  	[tilespmem:s24], [sflag:$0x1] =	stream.indirect.gather [hbm4b:s1+s9], $0x1, s16, s9, $0xb8;
	[tilespmem:$0x3040] =	vst v63  }
0x2d: {  	s25 =	sor.u32 $0x2, s15;
	s17 =	sadd.s32 $0x1080, s17  }
0x2e: {  	[tilespmem:s17], [sflag:$0x2] =	stream.indirect.gather [hbm4b:s2+s9], $0x1, s16, s9, $0xb8;
	[tilespmem:$0x3040] =	vst v63  }
0x2f: {  	s26 =	sshll.u32 s25, $0x9;
	s16 =	sshll.u32 s25, $0x8  }
0x30: {  	s17 =	sshra.s32 s26, $0x2;
	s16 =	sshra.s32 s16, $0x2  }
0x31: {  	s28 =	sadd.s32 $0x1040, s17;
	s16 =	sadd.s32 $0x40, s16  }
0x32: {  	[tilespmem:s28], [sflag:$0x1] =	stream.indirect.gather [hbm4b:s1+s9], $0x1, s16, s9, $0xb8;
	[tilespmem:$0x3040] =	vst v63  }
0x33: {  	s29 =	sor.u32 $0x3, s15;
	s17 =	sadd.s32 $0x1080, s17  }
0x34: {  	[tilespmem:s17], [sflag:$0x2] =	stream.indirect.gather [hbm4b:s2+s9], $0x1, s16, s9, $0xb8;
	[tilespmem:$0x3040] =	vst v63  }
0x35: {  	s30 =	sshll.u32 s29, $0x9;
	s16 =	sshll.u32 s29, $0x8  }
0x36: {  	s17 =	sshra.s32 s30, $0x2;
	s16 =	sshra.s32 s16, $0x2  }
0x37: {  	s31 =	sadd.s32 $0x1040, s17;
	s16 =	sadd.s32 $0x40, s16  }
0x38: {  	[tilespmem:s31], [sflag:$0x1] =	stream.indirect.gather [hbm4b:s1+s9], $0x1, s16, s9, $0xb8;
	[tilespmem:$0x3040] =	vst v63  }
0x39: {  	s19 =	sor.u32 $0x4, s15;
	s17 =	sadd.s32 $0x1080, s17  }
0x3a: {  	[tilespmem:s17], [sflag:$0x2] =	stream.indirect.gather [hbm4b:s2+s9], $0x1, s16, s9, $0xb8;
	[tilespmem:$0x3040] =	vst v63  }
0x3b: {  	s20 =	sshll.u32 s19, $0x9;
	s16 =	sshll.u32 s19, $0x8  }
0x3c: {  	s17 =	sshra.s32 s20, $0x2;
	s16 =	sshra.s32 s16, $0x2  }
0x3d: {  	s21 =	sadd.s32 $0x1040, s17;
	s16 =	sadd.s32 $0x40, s16  }
0x3e: {  	[tilespmem:s21], [sflag:$0x1] =	stream.indirect.gather [hbm4b:s1+s9], $0x1, s16, s9, $0xb8;
	[tilespmem:$0x3040] =	vst v63  }
0x3f: {  	s22 =	sor.u32 $0x5, s15;
	s17 =	sadd.s32 $0x1080, s17  }
0x40: {  	[tilespmem:s17], [sflag:$0x2] =	stream.indirect.gather [hbm4b:s2+s9], $0x1, s16, s9, $0xb8;
	[tilespmem:$0x3040] =	vst v63  }
0x41: {  	s23 =	sshll.u32 s22, $0x9;
	s16 =	sshll.u32 s22, $0x8  }
0x42: {  	s17 =	sshra.s32 s23, $0x2;
	s16 =	sshra.s32 s16, $0x2  }
0x43: {  	s24 =	sadd.s32 $0x1040, s17;
	s16 =	sadd.s32 $0x40, s16  }
0x44: {  	[tilespmem:s24], [sflag:$0x1] =	stream.indirect.gather [hbm4b:s1+s9], $0x1, s16, s9, $0xb8;
	[tilespmem:$0x3040] =	vst v63  }
0x45: {  	s25 =	sor.u32 $0x6, s15;
	s17 =	sadd.s32 $0x1080, s17  }
0x46: {  	[tilespmem:s17], [sflag:$0x2] =	stream.indirect.gather [hbm4b:s2+s9], $0x1, s16, s9, $0xb8;
	[tilespmem:$0x3040] =	vst v63  }
0x47: {  	s26 =	sshll.u32 s25, $0x9;
	s16 =	sshll.u32 s25, $0x8  }
0x48: {  	s17 =	sshra.s32 s26, $0x2;
	s16 =	sshra.s32 s16, $0x2  }
0x49: {  	s28 =	sadd.s32 $0x1040, s17;
	s16 =	sadd.s32 $0x40, s16  }
0x4a: {  	[tilespmem:s28], [sflag:$0x1] =	stream.indirect.gather [hbm4b:s1+s9], $0x1, s16, s9, $0xb8;
	[tilespmem:$0x3040] =	vst v63  }
0x4b: {  	s29 =	sor.u32 $0x7, s15;
	s17 =	sadd.s32 $0x1080, s17  }
0x4c: {  	[tilespmem:s17], [sflag:$0x2] =	stream.indirect.gather [hbm4b:s2+s9], $0x1, s16, s9, $0xb8;
	[tilespmem:$0x3040] =	vst v63  }
0x4d: {  	s30 =	sshll.u32 s29, $0x9;
	s16 =	sshll.u32 s29, $0x8  }
0x4e: {  	s17 =	sshra.s32 s30, $0x2;
	s16 =	sshra.s32 s16, $0x2  }
0x4f: {  	s31 =	sadd.s32 $0x1040, s17;
	s16 =	sadd.s32 $0x40, s16  }
0x50: {  	[tilespmem:s31], [sflag:$0x1] =	stream.indirect.gather [hbm4b:s1+s9], $0x1, s16, s9, $0xb8;
	[tilespmem:$0x3040] =	vst v63  }
0x51: {  	s19 =	sor.u32 $0x8, s15;
	s17 =	sadd.s32 $0x1080, s17  }
0x52: {  	[tilespmem:s17], [sflag:$0x2] =	stream.indirect.gather [hbm4b:s2+s9], $0x1, s16, s9, $0xb8;
	[tilespmem:$0x3040] =	vst v63  }
0x53: {  	s20 =	sshll.u32 s19, $0x9;
	s16 =	sshll.u32 s19, $0x8  }
0x54: {  	s17 =	sshra.s32 s20, $0x2;
	s16 =	sshra.s32 s16, $0x2  }
0x55: {  	s21 =	sadd.s32 $0x1040, s17;
	s16 =	sadd.s32 $0x40, s16  }
0x56: {  	[tilespmem:s21], [sflag:$0x1] =	stream.indirect.gather [hbm4b:s1+s9], $0x1, s16, s9, $0xb8;
	[tilespmem:$0x3040] =	vst v63  }
0x57: {  	s22 =	sor.u32 $0x9, s15;
	s17 =	sadd.s32 $0x1080, s17  }
0x58: {  	[tilespmem:s17], [sflag:$0x2] =	stream.indirect.gather [hbm4b:s2+s9], $0x1, s16, s9, $0xb8;
	[tilespmem:$0x3040] =	vst v63  }
0x59: {  	s23 =	sshll.u32 s22, $0x9;
	s16 =	sshll.u32 s22, $0x8  }
0x5a: {  	s17 =	sshra.s32 s23, $0x2;
	s16 =	sshra.s32 s16, $0x2  }
0x5b: {  	s24 =	sadd.s32 $0x1040, s17;
	s16 =	sadd.s32 $0x40, s16  }
0x5c: {  	[tilespmem:s24], [sflag:$0x1] =	stream.indirect.gather [hbm4b:s1+s9], $0x1, s16, s9, $0xb8;
	[tilespmem:$0x3040] =	vst v63  }
0x5d: {  	s25 =	sor.u32 $0xA, s15;
	s17 =	sadd.s32 $0x1080, s17  }
0x5e: {  	[tilespmem:s17], [sflag:$0x2] =	stream.indirect.gather [hbm4b:s2+s9], $0x1, s16, s9, $0xb8;
	[tilespmem:$0x3040] =	vst v63  }
0x5f: {  	s26 =	sshll.u32 s25, $0x9;
	s16 =	sshll.u32 s25, $0x8  }
0x60: {  	s17 =	sshra.s32 s26, $0x2;
	s16 =	sshra.s32 s16, $0x2  }
0x61: {  	s28 =	sadd.s32 $0x1040, s17;
	s16 =	sadd.s32 $0x40, s16  }
0x62: {  	[tilespmem:s28], [sflag:$0x1] =	stream.indirect.gather [hbm4b:s1+s9], $0x1, s16, s9, $0xb8;
	[tilespmem:$0x3040] =	vst v63  }
0x63: {  	s29 =	sor.u32 $0xB, s15;
	s17 =	sadd.s32 $0x1080, s17  }
0x64: {  	[tilespmem:s17], [sflag:$0x2] =	stream.indirect.gather [hbm4b:s2+s9], $0x1, s16, s9, $0xb8;
	[tilespmem:$0x3040] =	vst v63  }
0x65: {  	s30 =	sshll.u32 s29, $0x9;
	s16 =	sshll.u32 s29, $0x8  }
0x66: {  	s17 =	sshra.s32 s30, $0x2;
	s16 =	sshra.s32 s16, $0x2  }
0x67: {  	s31 =	sadd.s32 $0x1040, s17;
	s16 =	sadd.s32 $0x40, s16  }
0x68: {  	[tilespmem:s31], [sflag:$0x1] =	stream.indirect.gather [hbm4b:s1+s9], $0x1, s16, s9, $0xb8;
	[tilespmem:$0x3040] =	vst v63  }
0x69: {  	s19 =	sor.u32 $0xC, s15;
	s17 =	sadd.s32 $0x1080, s17  }
0x6a: {  	[tilespmem:s17], [sflag:$0x2] =	stream.indirect.gather [hbm4b:s2+s9], $0x1, s16, s9, $0xb8;
	[tilespmem:$0x3040] =	vst v63  }
0x6b: {  	s20 =	sshll.u32 s19, $0x9;
	s16 =	sshll.u32 s19, $0x8  }
0x6c: {  	s17 =	sshra.s32 s20, $0x2;
	s16 =	sshra.s32 s16, $0x2  }
0x6d: {  	s21 =	sadd.s32 $0x1040, s17;
	s16 =	sadd.s32 $0x40, s16  }
0x6e: {  	[tilespmem:s21], [sflag:$0x1] =	stream.indirect.gather [hbm4b:s1+s9], $0x1, s16, s9, $0xb8;
	[tilespmem:$0x3040] =	vst v63  }
0x6f: {  	s22 =	sor.u32 $0xD, s15;
	s17 =	sadd.s32 $0x1080, s17  }
0x70: {  	[tilespmem:s17], [sflag:$0x2] =	stream.indirect.gather [hbm4b:s2+s9], $0x1, s16, s9, $0xb8;
	[tilespmem:$0x3040] =	vst v63  }
0x71: {  	s23 =	sshll.u32 s22, $0x9;
	s16 =	sshll.u32 s22, $0x8  }
0x72: {  	s17 =	sshra.s32 s23, $0x2;
	s16 =	sshra.s32 s16, $0x2  }
0x73: {  	s24 =	sadd.s32 $0x1040, s17;
	s16 =	sadd.s32 $0x40, s16  }
0x74: {  	[tilespmem:s24], [sflag:$0x1] =	stream.indirect.gather [hbm4b:s1+s9], $0x1, s16, s9, $0xb8;
	[tilespmem:$0x3040] =	vst v63  }
0x75: {  	s25 =	sor.u32 $0xE, s15;
	s17 =	sadd.s32 $0x1080, s17  }
0x76: {  	[tilespmem:s17], [sflag:$0x2] =	stream.indirect.gather [hbm4b:s2+s9], $0x1, s16, s9, $0xb8;
	[tilespmem:$0x3040] =	vst v63  }
0x77: {  	s14 =	sadd.s32 $0x1, s14;
	s26 =	sshll.u32 s25, $0x9;
	s16 =	sshll.u32 s25, $0x8  }
0x78: {  	p0 =	sne.s32 s14, $0x4;
	s17 =	sshra.s32 s26, $0x2;
	s16 =	sshra.s32 s16, $0x2  }
0x79: {  	s29 =	sor.u32 $0xF, s15;
	s28 =	sadd.s32 $0x1040, s17;
	s16 =	sadd.s32 $0x40, s16  }
0x7a: {  	[tilespmem:s28], [sflag:$0x1] =	stream.indirect.gather [hbm4b:s1+s9], $0x1, s16, s9, $0xb8;
	[tilespmem:$0x3040] =	vst v63  }
0x7b: {  	s30 =	sshll.u32 s29, $0x9;
	s15 =	sshll.u32 s29, $0x8;
	s17 =	sadd.s32 $0x1080, s17  }
0x7c: {  	[tilespmem:s17], [sflag:$0x2] =	stream.indirect.gather [hbm4b:s2+s9], $0x1, s16, s9, $0xb8;
	[tilespmem:$0x3040] =	vst v63  }
.Ltmp1:
0x7d: {  	s15 =	sshra.s32 s15, $0x2;
	s16 =	sshra.s32 s30, $0x2;
	(pc) =	sbr.rel @p0 .LBB2_2-.Ltmp1, $4  }
0x7e: {  	s15 =	sadd.s32 $0x40, s15;
	s31 =	sadd.s32 $0x1040, s16  }
0x7f: {  	[tilespmem:s31], [sflag:$0x1] =	stream.indirect.gather [hbm4b:s1+s9], $0x1, s15, s9, $0xb8;
	[tilespmem:$0x3040] =	vst v63  }
0x80: {  	s16 =	sadd.s32 $0x1080, s16  }
0x81: {  	[tilespmem:s16], [sflag:$0x2] =	stream.indirect.gather [hbm4b:s2+s9], $0x1, s15, s9, $0xb8;
	[tilespmem:$0x3040] =	vst v63  }
0x82: {  	_ =	swait.ge [sflag:s10], $0x1000  }
0x83: {  	[sflag:s10] =	ssyncset.done $0x0  }
0x84: {  	[sflag:s10] =	ssyncadd.s32 $0xFFFFF000  }
0x85: {  	s13 =	sadd.s32 $0x1, s13;
	_ =	swait.ge [sflag:s11], $0x1000  }
0x86: {  	p0 =	sne.s32 s13, s7;
	[sflag:s11] =	ssyncset.done $0x0  }
.Ltmp2:
0x87: {  	[sflag:s11] =	ssyncadd.s32 $0xFFFFF000;
	(pc) =	sbr.rel @p0 .LBB2_1-.Ltmp2, $4  }
0x88: {  	[hbm4b:s6+s4] =	stream.linear.scatter [tilespmem:s12], [sflag:$0x3], $0x2000, $0x38;
	[tilespmem:$0x3040] =	vst v63  }
0x89: {  	_ =	swait.ge [sflag:s8], $0x2000  }
0x8a: {  	[sflag:s8] =	ssyncset.done $0x0  }
0x8b: {  	[sflag:s8] =	ssyncadd.s32 $0xFFFFE000  }
0x8c: {  	_ =	sfence.sel $0x180000  }
0x8d: {  	[bflag:$0x0] =	sbarrier.arrive $0xFFFF  }
0x8e: {  	p0 =	sne.s32 s3, $0x0;
	_ =	strace $0x90000047  }
0x8f: {  	s0 =	sadd.s32 @!p0 $0x100000, s0;
	[bflag:$0x2] =	sbarrier.arrive $0xFFFF  }
0x90: {  	[sflag:s0] =	ssyncadd.tile.s32 @!p0 $0x1;
	_ =	shalt  }
.Lfunc_end2:
_tile_overlayer_lowered:
.L_overlay_start_2:
0x91: {  	(tag) =	ssettag $0x2  }
0x92: {  	s0 =	rddreg [dreg:$0x0];
	s2 =	stileid.u32  }
0x93: {  	s1 =	rddreg [dreg:$0x1];
	p0 =	sne.s32 s2, $0x0  }
0x94: {  	s3 =	rddreg [dreg:$0x2];
	[bflag:$0x3] =	sbarrier.arrive $0xFFFF;
	s2 =	simm.s32 @!p0 $0x1C03  }
0x95: {  	[timem:s3], [sflag:s2] =	dma.local @!p0 [hbm:s0], s1  }
0x96: {  	s0 =	simm.s32 @!p0 $0x3  }
0x97: {  	_ =	swait.ge @!p0 [sflag:s0], s1  }
0x98: {  	s1 =	ssub.s32 @!p0 $0x0, s1;
	[sflag:s0] =	ssyncset.done @!p0 $0x0  }
0x99: {  	[sflag:s0] =	ssyncadd.s32 @!p0 s1  }
0x9a: {  	[bflag:$0x3] =	sbarrier.arrive $0xFFFF  }
0x9b: {  	_ =	shalt  }

</sc_bundles>
